<compile_context>
chip_gen: v7x
topology: tpu7x:2x2x1
jax: 0.10.2.dev20260603
libtpu: 0.0.44.dev20260713+nightly
codegen_flags: <defaults>
</compile_context>

<pallas_src>
import jax
import jax.numpy as jnp
from jax import lax
from jax.experimental import pallas as pl
from jax.experimental.pallas import tpu as pltpu
from jax.experimental.pallas import tpu_sc as plsc

_K = 8192
_D = 64
_N = 8192
_NC = 2
_NS = 16
_NW = _NC * _NS
_BPW = _N // _NW
_GC = 128
_NG = _BPW // _GC
_L = 16


def _sc_body(idx_hbm, emb_hbm, quant_hbm, parts_hbm,
             idx_v, rows_v, src_v, zero_v, hist_sh, sem):
    cid = lax.axis_index("c")
    sid = lax.axis_index("s")
    wid = sid * _NC + cid

    pltpu.sync_copy(idx_hbm.at[wid], idx_v)

    for g in range(_NG):
        pltpu.async_copy(emb_hbm.at[idx_v.at[g]], rows_v.at[g], sem).wait()
    pltpu.sync_copy(rows_v, quant_hbm.at[wid])

    lane = lax.iota(jnp.int32, _L)
    e0 = jnp.where(lane == 0, jnp.float32(1.0), jnp.float32(0.0))
    z16 = jnp.zeros((_L,), jnp.float32)

    @pl.loop(0, _GC)
    def _(i):
        src_v[i] = e0

    @pl.loop(0, _K // _NS)
    def _(i):
        zero_v[i] = z16

    pltpu.sync_copy(zero_v, hist_sh.at[pl.ds(sid * (_K // _NS), _K // _NS)])
    plsc.subcore_barrier()

    for g in range(_NG):
        pltpu.sync_copy(src_v, hist_sh.at[idx_v.at[g]], add=True)
    plsc.subcore_barrier()

    @pl.when(sid == 0)
    def _():
        pltpu.sync_copy(hist_sh, parts_hbm.at[cid])


def _sc_quant(idx_sc, emb):
    mesh = plsc.VectorSubcoreMesh(core_axis_name="c", subcore_axis_name="s")
    f = pl.kernel(
        _sc_body,
        out_type=[
            jax.ShapeDtypeStruct((_NW, _NG, _GC, _D), jnp.float32),
            jax.ShapeDtypeStruct((_NC, _K, _L), jnp.float32),
        ],
        mesh=mesh,
        scratch_types=[
            pltpu.VMEM((_NG, _GC), jnp.int32),
            pltpu.VMEM((_NG, _GC, _D), jnp.float32),
            pltpu.VMEM((_GC, _L), jnp.float32),
            pltpu.VMEM((_K // _NS, _L), jnp.float32),
            pltpu.VMEM_SHARED((_K, _L), jnp.float32),
            pltpu.SemaphoreType.DMA,
        ],
        compiler_params=pltpu.CompilerParams(use_tc_tiling_on_sc=False),
    )
    return f(idx_sc, emb)


def _finish_body(x_ref, q_ref, parts_ref, loss_ref, perp_ref):
    diff = q_ref[...] - x_ref[...]
    mse = jnp.sum(diff * diff) * (1.0 / (_N * _D))
    loss_ref[...] = jnp.reshape(1.25 * mse, (1, 1))
    counts = jnp.sum(jnp.sum(parts_ref[...], axis=2), axis=0)
    p = counts * (1.0 / _N)
    ent = jnp.sum(p * jnp.log(p + 1e-10))
    perp_ref[...] = jnp.reshape(jnp.exp(-ent), (1, 1))


def _tc_finish(flat_x, quant, parts):
    return pl.pallas_call(
        _finish_body,
        in_specs=[
            pl.BlockSpec((_N, _D), lambda: (0, 0)),
            pl.BlockSpec((_N, _D), lambda: (0, 0)),
            pl.BlockSpec((_NC, _K, _L), lambda: (0, 0, 0)),
        ],
        out_specs=[
            pl.BlockSpec((1, 1), lambda: (0, 0)),
            pl.BlockSpec((1, 1), lambda: (0, 0)),
        ],
        out_shape=[
            jax.ShapeDtypeStruct((1, 1), jnp.float32),
            jax.ShapeDtypeStruct((1, 1), jnp.float32),
        ],
    )(flat_x, quant, parts)


def kernel(inputs, embeddings):
    B, C, H, W = inputs.shape
    flat_x = jnp.transpose(inputs, (0, 2, 3, 1)).reshape(-1, C)
    distances = (
        jnp.sum(flat_x ** 2, axis=1, keepdims=True)
        + jnp.sum(embeddings ** 2, axis=1)
        - 2.0 * jnp.matmul(flat_x, embeddings.T)
    )
    idx_flat = jnp.argmin(distances, axis=1)

    quant4, parts = _sc_quant(
        idx_flat.astype(jnp.int32).reshape(_NW, _NG, _GC), embeddings)
    quant = quant4.reshape(_N, _D)

    loss11, perp11 = _tc_finish(flat_x, quant, parts)

    quantized = jnp.transpose(quant.reshape(B, H, W, C), (0, 3, 1, 2))
    encoding_indices = idx_flat.reshape(B, H, W)
    return (quantized, encoding_indices,
            loss11.reshape(()), perp11.reshape(()))

# --- scband reference (transcript-rebuilt; emitter-appended) ---
"""Pipeline reference for scband-fixed-semantic-vqgan-68023692034244 (READ-ONLY COPY).

The authoritative reference and input builder live on the scoring server;
editing this copy changes nothing except your own understanding.
"""

import jax, jax.numpy as jnp
import numpy as np

NUM_EMBEDDINGS = 8192
EMBEDDING_DIM = 64
COMMITMENT_COST = 0.25


def setup_inputs(seed: int = 0) -> dict:
    key = jax.random.key(seed)
    k1, k2 = jax.random.split(key)
    inputs = jax.random.normal(k1, (8, EMBEDDING_DIM, 32, 32), dtype=jnp.float32)
    # learned codebook parameter (post lazy-init it is L2-normalized rows)
    emb = jax.random.normal(k2, (NUM_EMBEDDINGS, EMBEDDING_DIM), dtype=jnp.float32)
    emb = emb / (jnp.linalg.norm(emb, axis=1, keepdims=True) + 1e-12)
    return {"inputs": inputs, "embeddings": emb}


def reference(inputs, embeddings):
    # eval-mode forward of FixedSemanticCodebook (the VQ core of FixedSemanticVQGAN)
    B, C, H, W = inputs.shape
    flat_input = jnp.transpose(inputs, (0, 2, 3, 1)).reshape(-1, C)
    distances = (
        jnp.sum(flat_input ** 2, axis=1, keepdims=True)
        + jnp.sum(embeddings ** 2, axis=1)
        - 2.0 * jnp.matmul(flat_input, embeddings.T)
    )
    encoding_indices = jnp.argmin(distances, axis=1)
    encodings = jax.nn.one_hot(encoding_indices, embeddings.shape[0], dtype=jnp.float32)
    quantized = jnp.matmul(encodings, embeddings)
    commitment_loss = jnp.mean((jax.lax.stop_gradient(quantized) - flat_input) ** 2) * COMMITMENT_COST
    embedding_loss = jnp.mean((quantized - jax.lax.stop_gradient(flat_input)) ** 2)
    # straight-through estimator
    quantized = flat_input + jax.lax.stop_gradient(quantized - flat_input)
    quantized = jnp.transpose(quantized.reshape(B, H, W, C), (0, 3, 1, 2))
    encoding_indices = encoding_indices.reshape(B, H, W)
    avg_probs = jnp.mean(encodings, axis=0)
    perplexity = jnp.exp(-jnp.sum(avg_probs * jnp.log(avg_probs + 1e-10)))
    loss = commitment_loss + embedding_loss
    return quantized, encoding_indices, loss, perplexity

if __name__ == "__main__":
    import jax
    _d = setup_inputs()
    print(jax.jit(kernel)(*tuple(_d.values())))

</pallas_src>

<mosaic_0001>
#map = affine_map<(d0, d1) -> (0, 0, 0)>
#map1 = affine_map<(d0, d1) -> (0, 0)>
#map2 = affine_map<(d0, d1) -> (0, 0, 0, 0)>
module attributes {stable_mosaic.version = 14 : i64} {
  func.func @_sc_body(%arg0: i32, %arg1: i32, %arg2: memref<32x2x128xi32, #tpu.memory_space<hbm>>, %arg3: memref<8192x64xf32, #tpu.memory_space<hbm>>, %arg4: memref<32x2x128x64xf32, #tpu.memory_space<hbm>>, %arg5: memref<2x8192x16xf32, #tpu.memory_space<hbm>>, %arg6: memref<2x128xi32, #tpu.memory_space<vmem>>, %arg7: memref<2x128x64xf32, #tpu.memory_space<vmem>>, %arg8: memref<128x16xf32, #tpu.memory_space<vmem>>, %arg9: memref<512x16xf32, #tpu.memory_space<vmem>>, %arg10: memref<8192x16xf32, #tpu.memory_space<vmem_shared>>, %arg11: memref<!tpu.dma_semaphore, #tpu.memory_space<semaphore_mem>>) attributes {dimension_semantics = [#tpu.dimension_semantics<core_parallel>, #tpu.dimension_semantics<subcore_parallel>], iteration_bounds = array<i64: 2, 16>, scalar_prefetch = 0 : i64, scratch_operands = 6 : i64, tpu.core_type = #tpu.core_type<sc_vector_subcore>, window_params = [{transform_indices = #map}, {transform_indices = #map1}, {transform_indices = #map2}, {transform_indices = #map}]} {
    %mul3A = arith.constant 2 : i32
    %mul3A_0 = arith.muli %arg1, %mul3A : i32
    %add3A = arith.addi %mul3A_0, %arg0 : i32
    "tpu.region"() ({
      %run_scoped3A_69 = tpu.sem_alloc : memref<!tpu.dma_semaphore, #tpu.memory_space<semaphore_mem>>
      %dma_start3A_70 = arith.constant 0 : i32
      %dma_start3A_71 = arith.constant 0 : i32
      %dma_start3A_72 = tpu.memref_slice %arg2[%add3A, %dma_start3A_70, %dma_start3A_71] : memref<32x2x128xi32, #tpu.memory_space<hbm>> -> memref<1x2x128xi32, #tpu.memory_space<hbm>>
      %dma_start3A_73 = tpu.memref_squeeze %dma_start3A_72 : memref<1x2x128xi32, #tpu.memory_space<hbm>> -> memref<2x128xi32, #tpu.memory_space<hbm>>
      %dma_start3A_74 = arith.constant 0 : i32
      %dma_start3A_75 = arith.constant 0 : i32
      %dma_start3A_76 = tpu.memref_slice %arg2[%add3A, %dma_start3A_74, %dma_start3A_75] : memref<32x2x128xi32, #tpu.memory_space<hbm>> -> memref<1x2x128xi32, #tpu.memory_space<hbm>>
      %dma_start3A_77 = tpu.memref_squeeze %dma_start3A_76 : memref<1x2x128xi32, #tpu.memory_space<hbm>> -> memref<2x128xi32, #tpu.memory_space<hbm>>
      tpu.enqueue_dma source(%dma_start3A_77 : memref<2x128xi32, #tpu.memory_space<hbm>>) target(%arg6 : memref<2x128xi32, #tpu.memory_space<vmem>>) target_semaphore(%run_scoped3A_69 : memref<!tpu.dma_semaphore, #tpu.memory_space<semaphore_mem>>)
      %dma_wait3A_78 = arith.constant 0 : i32
      %dma_wait3A_79 = arith.constant 0 : i32
      %dma_wait3A_80 = tpu.memref_slice %arg2[%add3A, %dma_wait3A_78, %dma_wait3A_79] : memref<32x2x128xi32, #tpu.memory_space<hbm>> -> memref<1x2x128xi32, #tpu.memory_space<hbm>>
      %dma_wait3A_81 = tpu.memref_squeeze %dma_wait3A_80 : memref<1x2x128xi32, #tpu.memory_space<hbm>> -> memref<2x128xi32, #tpu.memory_space<hbm>>
      %dma_wait3A_82 = arith.constant 0 : i32
      %dma_wait3A_83 = arith.constant 0 : i32
      %dma_wait3A_84 = tpu.memref_slice %arg2[%add3A, %dma_wait3A_82, %dma_wait3A_83] : memref<32x2x128xi32, #tpu.memory_space<hbm>> -> memref<1x2x128xi32, #tpu.memory_space<hbm>>
      %dma_wait3A_85 = tpu.memref_squeeze %dma_wait3A_84 : memref<1x2x128xi32, #tpu.memory_space<hbm>> -> memref<2x128xi32, #tpu.memory_space<hbm>>
      tpu.wait_dma2 semaphore(%run_scoped3A_69 : memref<!tpu.dma_semaphore, #tpu.memory_space<semaphore_mem>>) src(%dma_wait3A_85 : memref<2x128xi32, #tpu.memory_space<hbm>>) dst(%arg6 : memref<2x128xi32, #tpu.memory_space<vmem>>)
      tpu.yield
    }) : () -> ()
    %dma_start3A = arith.constant 0 : i32
    %dma_start3A_1 = arith.constant 0 : i32
    %dma_start3A_2 = arith.constant 0 : i32
    %dma_start3A_3 = arith.constant 0 : i32
    %dma_start3A_4 = tpu.memref_slice %arg7[%dma_start3A_1, %dma_start3A_2, %dma_start3A_3] : memref<2x128x64xf32, #tpu.memory_space<vmem>> -> memref<1x128x64xf32, #tpu.memory_space<vmem>>
    %dma_start3A_5 = tpu.memref_squeeze %dma_start3A_4 : memref<1x128x64xf32, #tpu.memory_space<vmem>> -> memref<128x64xf32, #tpu.memory_space<vmem>>
    %dma_start3A_6 = arith.constant 0 : i32
    %dma_start3A_7 = tpu.memref_slice %arg6[%dma_start3A, %dma_start3A_6] : memref<2x128xi32, #tpu.memory_space<vmem>> -> memref<1x128xi32, #tpu.memory_space<vmem>>
    %dma_start3A_8 = tpu.memref_squeeze %dma_start3A_7 : memref<1x128xi32, #tpu.memory_space<vmem>> -> memref<128xi32, #tpu.memory_space<vmem>>
    %dma_start3A_9 = arith.constant 0 : i32
    %dma_start3A_10 = arith.constant 0 : i32
    %dma_start3A_11 = tpu.memref_slice %arg3[%dma_start3A_9, %dma_start3A_10] : memref<8192x64xf32, #tpu.memory_space<hbm>> -> memref<8192x64xf32, #tpu.memory_space<hbm>>
    tpu.enqueue_indirect_dma source(%dma_start3A_11 : memref<8192x64xf32, #tpu.memory_space<hbm>>) target(%dma_start3A_5 : memref<128x64xf32, #tpu.memory_space<vmem>>) offsets(%dma_start3A_8 : memref<128xi32, #tpu.memory_space<vmem>>) semaphore(%arg11 : memref<!tpu.dma_semaphore, #tpu.memory_space<semaphore_mem>>)
    %dma_wait3A = arith.constant 0 : i32
    %dma_wait3A_12 = arith.constant 0 : i32
    %dma_wait3A_13 = arith.constant 0 : i32
    %dma_wait3A_14 = arith.constant 0 : i32
    %dma_wait3A_15 = tpu.memref_slice %arg7[%dma_wait3A_12, %dma_wait3A_13, %dma_wait3A_14] : memref<2x128x64xf32, #tpu.memory_space<vmem>> -> memref<1x128x64xf32, #tpu.memory_space<vmem>>
    %dma_wait3A_16 = tpu.memref_squeeze %dma_wait3A_15 : memref<1x128x64xf32, #tpu.memory_space<vmem>> -> memref<128x64xf32, #tpu.memory_space<vmem>>
    %dma_wait3A_17 = arith.constant 0 : i32
    %dma_wait3A_18 = tpu.memref_slice %arg6[%dma_wait3A, %dma_wait3A_17] : memref<2x128xi32, #tpu.memory_space<vmem>> -> memref<1x128xi32, #tpu.memory_space<vmem>>
    %dma_wait3A_19 = tpu.memref_squeeze %dma_wait3A_18 : memref<1x128xi32, #tpu.memory_space<vmem>> -> memref<128xi32, #tpu.memory_space<vmem>>
    %dma_wait3A_20 = arith.constant 0 : i32
    %dma_wait3A_21 = arith.constant 0 : i32
    %dma_wait3A_22 = tpu.memref_slice %arg3[%dma_wait3A_20, %dma_wait3A_21] : memref<8192x64xf32, #tpu.memory_space<hbm>> -> memref<8192x64xf32, #tpu.memory_space<hbm>>
    tpu.wait_indirect_dma semaphore(%arg11 : memref<!tpu.dma_semaphore, #tpu.memory_space<semaphore_mem>>) src(%dma_wait3A_22 : memref<8192x64xf32, #tpu.memory_space<hbm>>) dst(%dma_wait3A_16 : memref<128x64xf32, #tpu.memory_space<vmem>>)
    %dma_start3A_23 = arith.constant 1 : i32
    %dma_start3A_24 = arith.constant 1 : i32
    %dma_start3A_25 = arith.constant 0 : i32
    %dma_start3A_26 = arith.constant 0 : i32
    %dma_start3A_27 = tpu.memref_slice %arg7[%dma_start3A_24, %dma_start3A_25, %dma_start3A_26] : memref<2x128x64xf32, #tpu.memory_space<vmem>> -> memref<1x128x64xf32, #tpu.memory_space<vmem>>
    %dma_start3A_28 = tpu.memref_squeeze %dma_start3A_27 : memref<1x128x64xf32, #tpu.memory_space<vmem>> -> memref<128x64xf32, #tpu.memory_space<vmem>>
    %dma_start3A_29 = arith.constant 0 : i32
    %dma_start3A_30 = tpu.memref_slice %arg6[%dma_start3A_23, %dma_start3A_29] : memref<2x128xi32, #tpu.memory_space<vmem>> -> memref<1x128xi32, #tpu.memory_space<vmem>>
    %dma_start3A_31 = tpu.memref_squeeze %dma_start3A_30 : memref<1x128xi32, #tpu.memory_space<vmem>> -> memref<128xi32, #tpu.memory_space<vmem>>
    %dma_start3A_32 = arith.constant 0 : i32
    %dma_start3A_33 = arith.constant 0 : i32
    %dma_start3A_34 = tpu.memref_slice %arg3[%dma_start3A_32, %dma_start3A_33] : memref<8192x64xf32, #tpu.memory_space<hbm>> -> memref<8192x64xf32, #tpu.memory_space<hbm>>
    tpu.enqueue_indirect_dma source(%dma_start3A_34 : memref<8192x64xf32, #tpu.memory_space<hbm>>) target(%dma_start3A_28 : memref<128x64xf32, #tpu.memory_space<vmem>>) offsets(%dma_start3A_31 : memref<128xi32, #tpu.memory_space<vmem>>) semaphore(%arg11 : memref<!tpu.dma_semaphore, #tpu.memory_space<semaphore_mem>>)
    %dma_wait3A_35 = arith.constant 1 : i32
    %dma_wait3A_36 = arith.constant 1 : i32
    %dma_wait3A_37 = arith.constant 0 : i32
    %dma_wait3A_38 = arith.constant 0 : i32
    %dma_wait3A_39 = tpu.memref_slice %arg7[%dma_wait3A_36, %dma_wait3A_37, %dma_wait3A_38] : memref<2x128x64xf32, #tpu.memory_space<vmem>> -> memref<1x128x64xf32, #tpu.memory_space<vmem>>
    %dma_wait3A_40 = tpu.memref_squeeze %dma_wait3A_39 : memref<1x128x64xf32, #tpu.memory_space<vmem>> -> memref<128x64xf32, #tpu.memory_space<vmem>>
    %dma_wait3A_41 = arith.constant 0 : i32
    %dma_wait3A_42 = tpu.memref_slice %arg6[%dma_wait3A_35, %dma_wait3A_41] : memref<2x128xi32, #tpu.memory_space<vmem>> -> memref<1x128xi32, #tpu.memory_space<vmem>>
    %dma_wait3A_43 = tpu.memref_squeeze %dma_wait3A_42 : memref<1x128xi32, #tpu.memory_space<vmem>> -> memref<128xi32, #tpu.memory_space<vmem>>
    %dma_wait3A_44 = arith.constant 0 : i32
    %dma_wait3A_45 = arith.constant 0 : i32
    %dma_wait3A_46 = tpu.memref_slice %arg3[%dma_wait3A_44, %dma_wait3A_45] : memref<8192x64xf32, #tpu.memory_space<hbm>> -> memref<8192x64xf32, #tpu.memory_space<hbm>>
    tpu.wait_indirect_dma semaphore(%arg11 : memref<!tpu.dma_semaphore, #tpu.memory_space<semaphore_mem>>) src(%dma_wait3A_46 : memref<8192x64xf32, #tpu.memory_space<hbm>>) dst(%dma_wait3A_40 : memref<128x64xf32, #tpu.memory_space<vmem>>)
    "tpu.region"() ({
      %run_scoped3A_69 = tpu.sem_alloc : memref<!tpu.dma_semaphore, #tpu.memory_space<semaphore_mem>>
      %dma_start3A_70 = arith.constant 0 : i32
      %dma_start3A_71 = arith.constant 0 : i32
      %dma_start3A_72 = arith.constant 0 : i32
      %dma_start3A_73 = tpu.memref_slice %arg4[%add3A, %dma_start3A_70, %dma_start3A_71, %dma_start3A_72] : memref<32x2x128x64xf32, #tpu.memory_space<hbm>> -> memref<1x2x128x64xf32, #tpu.memory_space<hbm>>
      %dma_start3A_74 = tpu.memref_squeeze %dma_start3A_73 : memref<1x2x128x64xf32, #tpu.memory_space<hbm>> -> memref<2x128x64xf32, #tpu.memory_space<hbm>>
      %dma_start3A_75 = arith.constant 0 : i32
      %dma_start3A_76 = arith.constant 0 : i32
      %dma_start3A_77 = arith.constant 0 : i32
      %dma_start3A_78 = tpu.memref_slice %arg4[%add3A, %dma_start3A_75, %dma_start3A_76, %dma_start3A_77] : memref<32x2x128x64xf32, #tpu.memory_space<hbm>> -> memref<1x2x128x64xf32, #tpu.memory_space<hbm>>
      %dma_start3A_79 = tpu.memref_squeeze %dma_start3A_78 : memref<1x2x128x64xf32, #tpu.memory_space<hbm>> -> memref<2x128x64xf32, #tpu.memory_space<hbm>>
      tpu.enqueue_dma source(%arg7 : memref<2x128x64xf32, #tpu.memory_space<vmem>>) target(%dma_start3A_79 : memref<2x128x64xf32, #tpu.memory_space<hbm>>) target_semaphore(%run_scoped3A_69 : memref<!tpu.dma_semaphore, #tpu.memory_space<semaphore_mem>>)
      %dma_wait3A_80 = arith.constant 0 : i32
      %dma_wait3A_81 = arith.constant 0 : i32
      %dma_wait3A_82 = arith.constant 0 : i32
      %dma_wait3A_83 = tpu.memref_slice %arg4[%add3A, %dma_wait3A_80, %dma_wait3A_81, %dma_wait3A_82] : memref<32x2x128x64xf32, #tpu.memory_space<hbm>> -> memref<1x2x128x64xf32, #tpu.memory_space<hbm>>
      %dma_wait3A_84 = tpu.memref_squeeze %dma_wait3A_83 : memref<1x2x128x64xf32, #tpu.memory_space<hbm>> -> memref<2x128x64xf32, #tpu.memory_space<hbm>>
      %dma_wait3A_85 = arith.constant 0 : i32
      %dma_wait3A_86 = arith.constant 0 : i32
      %dma_wait3A_87 = arith.constant 0 : i32
      %dma_wait3A_88 = tpu.memref_slice %arg4[%add3A, %dma_wait3A_85, %dma_wait3A_86, %dma_wait3A_87] : memref<32x2x128x64xf32, #tpu.memory_space<hbm>> -> memref<1x2x128x64xf32, #tpu.memory_space<hbm>>
      %dma_wait3A_89 = tpu.memref_squeeze %dma_wait3A_88 : memref<1x2x128x64xf32, #tpu.memory_space<hbm>> -> memref<2x128x64xf32, #tpu.memory_space<hbm>>
      tpu.wait_dma2 semaphore(%run_scoped3A_69 : memref<!tpu.dma_semaphore, #tpu.memory_space<semaphore_mem>>) src(%arg7 : memref<2x128x64xf32, #tpu.memory_space<vmem>>) dst(%dma_wait3A_89 : memref<2x128x64xf32, #tpu.memory_space<hbm>>)
      tpu.yield
    }) : () -> ()
    %iota3A = tpu.iota {dimensions = array<i32: 0>} : vector<16xi32>
    %eq3A = arith.constant 0 : i32
    %eq3A_47 = vector.broadcast %eq3A : i32 to vector<16xi32>
    %eq3A_48 = arith.cmpi eq, %iota3A, %eq3A_47 : vector<16xi32>
    %jit3A = arith.constant 1.000000e+00 : f32
    %jit3A_49 = arith.constant 0.000000e+00 : f32
    %broadcast_in_dim3A = vector.broadcast %jit3A : f32 to vector<16xf32>
    %broadcast_in_dim3A_50 = vector.broadcast %jit3A_49 : f32 to vector<16xf32>
    %select_n3A = arith.select %eq3A_48, %broadcast_in_dim3A, %broadcast_in_dim3A_50 : vector<16xi1>, vector<16xf32>
    %broadcast_in_dim3A_51 = arith.constant 0.000000e+00 : f32
    %broadcast_in_dim3A_52 = vector.broadcast %broadcast_in_dim3A_51 : f32 to vector<16xf32>
    %scan3A = arith.constant 0 : i32
    %scan3A_53 = arith.constant 128 : i32
    %scan3A_54 = arith.addi %scan3A, %scan3A_53 : i32
    %scan3A_55 = arith.constant 1 : i32
    scf.for %scan3A_69 = %scan3A to %scan3A_54 step %scan3A_55  : i32 {
      %mul3A_70 = arith.constant 1 : i32
      %mul3A_71 = arith.muli %scan3A_69, %mul3A_70 : i32
      %add3A_72 = arith.constant 0 : i32
      %add3A_73 = arith.addi %add3A_72, %mul3A_71 : i32
      %swap3A = arith.index_cast %add3A_73 : i32 to index
      %swap3A_74 = arith.constant 0 : index
      %swap3A_75 = tpu.vector_load %arg8[%swap3A, %swap3A_74] {strides = array<i32>} : memref<128x16xf32, #tpu.memory_space<vmem>>, vector<1x16xf32>,
      %swap3A_76 = vector.shape_cast %swap3A_75 : vector<1x16xf32> to vector<16xf32>
      %swap3A_77 = vector.shape_cast %select_n3A : vector<16xf32> to vector<1x16xf32>
      tpu.vector_store %arg8[%swap3A, %swap3A_74], %swap3A_77 {strides = array<i32>} : memref<128x16xf32, #tpu.memory_space<vmem>>, vector<1x16xf32>,
    }
    %scan3A_56 = arith.constant 128 : i32
    %scan3A_57 = arith.constant 0 : i32
    %scan3A_58 = arith.constant 512 : i32
    %scan3A_59 = arith.addi %scan3A_57, %scan3A_58 : i32
    %scan3A_60 = arith.constant 1 : i32
    scf.for %scan3A_69 = %scan3A_57 to %scan3A_59 step %scan3A_60  : i32 {
      %mul3A_70 = arith.constant 1 : i32
      %mul3A_71 = arith.muli %scan3A_69, %mul3A_70 : i32
      %add3A_72 = arith.constant 0 : i32
      %add3A_73 = arith.addi %add3A_72, %mul3A_71 : i32
      %swap3A = arith.index_cast %add3A_73 : i32 to index
      %swap3A_74 = arith.constant 0 : index
      %swap3A_75 = tpu.vector_load %arg9[%swap3A, %swap3A_74] {strides = array<i32>} : memref<512x16xf32, #tpu.memory_space<vmem>>, vector<1x16xf32>,
      %swap3A_76 = vector.shape_cast %swap3A_75 : vector<1x16xf32> to vector<16xf32>
      %swap3A_77 = vector.shape_cast %broadcast_in_dim3A_52 : vector<16xf32> to vector<1x16xf32>
      tpu.vector_store %arg9[%swap3A, %swap3A_74], %swap3A_77 {strides = array<i32>} : memref<512x16xf32, #tpu.memory_space<vmem>>, vector<1x16xf32>,
    }
    %scan3A_61 = arith.constant 512 : i32
    %mul3A_62 = arith.constant 512 : i32
    %mul3A_63 = arith.muli %arg1, %mul3A_62 : i32
    "tpu.region"() ({
      %run_scoped3A_69 = tpu.sem_alloc : memref<!tpu.dma_semaphore, #tpu.memory_space<semaphore_mem>>
      %dma_start3A_70 = arith.constant 0 : i32
      %dma_start3A_71 = tpu.memref_slice %arg10[%mul3A_63, %dma_start3A_70] : memref<8192x16xf32, #tpu.memory_space<vmem_shared>> -> memref<512x16xf32, #tpu.memory_space<vmem_shared>>
      %dma_start3A_72 = arith.constant 0 : i32
      %dma_start3A_73 = tpu.memref_slice %arg10[%mul3A_63, %dma_start3A_72] : memref<8192x16xf32, #tpu.memory_space<vmem_shared>> -> memref<512x16xf32, #tpu.memory_space<vmem_shared>>
      tpu.enqueue_dma source(%arg9 : memref<512x16xf32, #tpu.memory_space<vmem>>) target(%dma_start3A_73 : memref<512x16xf32, #tpu.memory_space<vmem_shared>>) target_semaphore(%run_scoped3A_69 : memref<!tpu.dma_semaphore, #tpu.memory_space<semaphore_mem>>)
      %dma_wait3A_74 = arith.constant 0 : i32
      %dma_wait3A_75 = tpu.memref_slice %arg10[%mul3A_63, %dma_wait3A_74] : memref<8192x16xf32, #tpu.memory_space<vmem_shared>> -> memref<512x16xf32, #tpu.memory_space<vmem_shared>>
      %dma_wait3A_76 = arith.constant 0 : i32
      %dma_wait3A_77 = tpu.memref_slice %arg10[%mul3A_63, %dma_wait3A_76] : memref<8192x16xf32, #tpu.memory_space<vmem_shared>> -> memref<512x16xf32, #tpu.memory_space<vmem_shared>>
      tpu.wait_dma2 semaphore(%run_scoped3A_69 : memref<!tpu.dma_semaphore, #tpu.memory_space<semaphore_mem>>) src(%arg9 : memref<512x16xf32, #tpu.memory_space<vmem>>) dst(%dma_wait3A_77 : memref<512x16xf32, #tpu.memory_space<vmem_shared>>)
      tpu.yield
    }) : () -> ()
    %barrier3A = arith.constant 0 : index
    tpu.barrier barrier_id(%barrier3A)
    %run_scoped3A = arith.constant 0 : i32
    "tpu.region"() ({
      %run_scoped3A_69 = tpu.sem_alloc : memref<!tpu.dma_semaphore, #tpu.memory_space<semaphore_mem>>
      %dma_start3A_70 = arith.constant 0 : i32
      %dma_start3A_71 = tpu.memref_slice %arg6[%run_scoped3A, %dma_start3A_70] : memref<2x128xi32, #tpu.memory_space<vmem>> -> memref<1x128xi32, #tpu.memory_space<vmem>>
      %dma_start3A_72 = tpu.memref_squeeze %dma_start3A_71 : memref<1x128xi32, #tpu.memory_space<vmem>> -> memref<128xi32, #tpu.memory_space<vmem>>
      %dma_start3A_73 = arith.constant 0 : i32
      %dma_start3A_74 = arith.constant 0 : i32
      %dma_start3A_75 = tpu.memref_slice %arg10[%dma_start3A_73, %dma_start3A_74] : memref<8192x16xf32, #tpu.memory_space<vmem_shared>> -> memref<8192x16xf32, #tpu.memory_space<vmem_shared>>
      tpu.enqueue_indirect_dma source(%arg8 : memref<128x16xf32, #tpu.memory_space<vmem>>) target(%dma_start3A_75 : memref<8192x16xf32, #tpu.memory_space<vmem_shared>>) offsets(%dma_start3A_72 : memref<128xi32, #tpu.memory_space<vmem>>) semaphore(%run_scoped3A_69 : memref<!tpu.dma_semaphore, #tpu.memory_space<semaphore_mem>>) {add = true}
      %dma_wait3A_76 = arith.constant 0 : i32
      %dma_wait3A_77 = tpu.memref_slice %arg6[%run_scoped3A, %dma_wait3A_76] : memref<2x128xi32, #tpu.memory_space<vmem>> -> memref<1x128xi32, #tpu.memory_space<vmem>>
      %dma_wait3A_78 = tpu.memref_squeeze %dma_wait3A_77 : memref<1x128xi32, #tpu.memory_space<vmem>> -> memref<128xi32, #tpu.memory_space<vmem>>
      %dma_wait3A_79 = arith.constant 0 : i32
      %dma_wait3A_80 = arith.constant 0 : i32
      %dma_wait3A_81 = tpu.memref_slice %arg10[%dma_wait3A_79, %dma_wait3A_80] : memref<8192x16xf32, #tpu.memory_space<vmem_shared>> -> memref<8192x16xf32, #tpu.memory_space<vmem_shared>>
      tpu.wait_indirect_dma semaphore(%run_scoped3A_69 : memref<!tpu.dma_semaphore, #tpu.memory_space<semaphore_mem>>) src(%arg8 : memref<128x16xf32, #tpu.memory_space<vmem>>) dst(%dma_wait3A_81 : memref<8192x16xf32, #tpu.memory_space<vmem_shared>>)
      tpu.yield
    }) : () -> ()
    %run_scoped3A_64 = arith.constant 1 : i32
    "tpu.region"() ({
      %run_scoped3A_69 = tpu.sem_alloc : memref<!tpu.dma_semaphore, #tpu.memory_space<semaphore_mem>>
      %dma_start3A_70 = arith.constant 0 : i32
      %dma_start3A_71 = tpu.memref_slice %arg6[%run_scoped3A_64, %dma_start3A_70] : memref<2x128xi32, #tpu.memory_space<vmem>> -> memref<1x128xi32, #tpu.memory_space<vmem>>
      %dma_start3A_72 = tpu.memref_squeeze %dma_start3A_71 : memref<1x128xi32, #tpu.memory_space<vmem>> -> memref<128xi32, #tpu.memory_space<vmem>>
      %dma_start3A_73 = arith.constant 0 : i32
      %dma_start3A_74 = arith.constant 0 : i32
      %dma_start3A_75 = tpu.memref_slice %arg10[%dma_start3A_73, %dma_start3A_74] : memref<8192x16xf32, #tpu.memory_space<vmem_shared>> -> memref<8192x16xf32, #tpu.memory_space<vmem_shared>>
      tpu.enqueue_indirect_dma source(%arg8 : memref<128x16xf32, #tpu.memory_space<vmem>>) target(%dma_start3A_75 : memref<8192x16xf32, #tpu.memory_space<vmem_shared>>) offsets(%dma_start3A_72 : memref<128xi32, #tpu.memory_space<vmem>>) semaphore(%run_scoped3A_69 : memref<!tpu.dma_semaphore, #tpu.memory_space<semaphore_mem>>) {add = true}
      %dma_wait3A_76 = arith.constant 0 : i32
      %dma_wait3A_77 = tpu.memref_slice %arg6[%run_scoped3A_64, %dma_wait3A_76] : memref<2x128xi32, #tpu.memory_space<vmem>> -> memref<1x128xi32, #tpu.memory_space<vmem>>
      %dma_wait3A_78 = tpu.memref_squeeze %dma_wait3A_77 : memref<1x128xi32, #tpu.memory_space<vmem>> -> memref<128xi32, #tpu.memory_space<vmem>>
      %dma_wait3A_79 = arith.constant 0 : i32
      %dma_wait3A_80 = arith.constant 0 : i32
      %dma_wait3A_81 = tpu.memref_slice %arg10[%dma_wait3A_79, %dma_wait3A_80] : memref<8192x16xf32, #tpu.memory_space<vmem_shared>> -> memref<8192x16xf32, #tpu.memory_space<vmem_shared>>
      tpu.wait_indirect_dma semaphore(%run_scoped3A_69 : memref<!tpu.dma_semaphore, #tpu.memory_space<semaphore_mem>>) src(%arg8 : memref<128x16xf32, #tpu.memory_space<vmem>>) dst(%dma_wait3A_81 : memref<8192x16xf32, #tpu.memory_space<vmem_shared>>)
      tpu.yield
    }) : () -> ()
    %barrier3A_65 = arith.constant 0 : index
    tpu.barrier barrier_id(%barrier3A_65)
    %eq3A_66 = arith.constant 0 : i32
    %eq3A_67 = arith.cmpi eq, %arg1, %eq3A_66 : i32
    %convert_element_type3A = arith.extui %eq3A_67 : i1 to i32
    %cond3A = arith.constant 0 : i32
    %cond3A_68 = arith.cmpi ne, %convert_element_type3A, %cond3A : i32
    scf.if %cond3A_68 {
      "tpu.region"() ({
        %run_scoped3A_69 = tpu.sem_alloc : memref<!tpu.dma_semaphore, #tpu.memory_space<semaphore_mem>>
        %dma_start3A_70 = arith.constant 0 : i32
        %dma_start3A_71 = arith.constant 0 : i32
        %dma_start3A_72 = tpu.memref_slice %arg5[%arg0, %dma_start3A_70, %dma_start3A_71] : memref<2x8192x16xf32, #tpu.memory_space<hbm>> -> memref<1x8192x16xf32, #tpu.memory_space<hbm>>
        %dma_start3A_73 = tpu.memref_squeeze %dma_start3A_72 : memref<1x8192x16xf32, #tpu.memory_space<hbm>> -> memref<8192x16xf32, #tpu.memory_space<hbm>>
        tpu.enqueue_dma source(%arg10 : memref<8192x16xf32, #tpu.memory_space<vmem_shared>>) target(%dma_start3A_73 : memref<8192x16xf32, #tpu.memory_space<hbm>>) target_semaphore(%run_scoped3A_69 : memref<!tpu.dma_semaphore, #tpu.memory_space<semaphore_mem>>)
        %dma_wait3A_74 = arith.constant 0 : i32
        %dma_wait3A_75 = arith.constant 0 : i32
        %dma_wait3A_76 = tpu.memref_slice %arg5[%arg0, %dma_wait3A_74, %dma_wait3A_75] : memref<2x8192x16xf32, #tpu.memory_space<hbm>> -> memref<1x8192x16xf32, #tpu.memory_space<hbm>>
        %dma_wait3A_77 = tpu.memref_squeeze %dma_wait3A_76 : memref<1x8192x16xf32, #tpu.memory_space<hbm>> -> memref<8192x16xf32, #tpu.memory_space<hbm>>
        tpu.wait_dma2 semaphore(%run_scoped3A_69 : memref<!tpu.dma_semaphore, #tpu.memory_space<semaphore_mem>>) src(%arg10 : memref<8192x16xf32, #tpu.memory_space<vmem_shared>>) dst(%dma_wait3A_77 : memref<8192x16xf32, #tpu.memory_space<hbm>>)
        tpu.yield
      }) : () -> ()
    } else {
    }
    return
  }
}

module attributes {stable_mosaic.version = 14 : i64} {
  func.func @_finish_body(%arg0: memref<8192x64xf32, #tpu.memory_space<vmem>>, %arg1: memref<8192x64xf32, #tpu.memory_space<vmem>>, %arg2: memref<2x8192x16xf32, #tpu.memory_space<vmem>>, %arg3: memref<1x1xf32, #tpu.memory_space<vmem>>, %arg4: memref<1x1xf32, #tpu.memory_space<vmem>>) attributes {dimension_semantics = [], scalar_prefetch = 0 : i64, scratch_operands = 0 : i64, tpu.core_type = #tpu.core_type<tc>} {
    %get3A = arith.constant 0 : index
    %get3A_0 = arith.constant 0 : index
    %get3A_1 = vector.load %arg1[%get3A, %get3A_0] : memref<8192x64xf32, #tpu.memory_space<vmem>>, vector<8192x64xf32>
    %get3A_2 = arith.constant 0 : index
    %get3A_3 = arith.constant 0 : index
    %get3A_4 = vector.load %arg0[%get3A_2, %get3A_3] : memref<8192x64xf32, #tpu.memory_space<vmem>>, vector<8192x64xf32>
    %sub3A = arith.subf %get3A_1, %get3A_4 : vector<8192x64xf32>
    %mul3A = arith.mulf %sub3A, %sub3A : vector<8192x64xf32>
    %reduce_sum3A = vector.shape_cast %mul3A : vector<8192x64xf32> to vector<1x8192x64xf32>
    %reduce_sum3A_5 = arith.constant dense<0.000000e+00> : vector<1xf32>
    %reduce_sum3A_6 = vector.multi_reduction <add>, %reduce_sum3A, %reduce_sum3A_5 [1, 2] : vector<1x8192x64xf32> to vector<1xf32>
    %reduce_sum3A_7 = vector.shape_cast %reduce_sum3A_6 : vector<1xf32> to vector<1x1x1xf32>
    %reduce_sum3A_8 = vector.extract %reduce_sum3A_7[0, 0, 0] : f32 from vector<1x1x1xf32>
    %mul3A_9 = arith.constant 1.90734863E-6 : f32
    %mul3A_10 = arith.mulf %reduce_sum3A_8, %mul3A_9 : f32
    %mul3A_11 = arith.constant 1.250000e+00 : f32
    %mul3A_12 = arith.mulf %mul3A_11, %mul3A_10 : f32
    %reshape3A = vector.broadcast %mul3A_12 : f32 to vector<1x1xf32>
    %swap3A = arith.constant 0 : index
    %swap3A_13 = arith.constant 0 : index
    %swap3A_14 = vector.load %arg3[%swap3A, %swap3A_13] : memref<1x1xf32, #tpu.memory_space<vmem>>, vector<1x1xf32>
    tpu.vector_store %arg3[%swap3A, %swap3A_13], %reshape3A {strides = array<i32>} : memref<1x1xf32, #tpu.memory_space<vmem>>, vector<1x1xf32>,
    %get3A_15 = arith.constant 0 : index
    %get3A_16 = arith.constant 0 : index
    %get3A_17 = arith.constant 0 : index
    %get3A_18 = vector.load %arg2[%get3A_15, %get3A_16, %get3A_17] : memref<2x8192x16xf32, #tpu.memory_space<vmem>>, vector<2x8192x16xf32>
    %reduce_sum3A_19 = arith.constant dense<0.000000e+00> : vector<2x8192xf32>
    %reduce_sum3A_20 = vector.multi_reduction <add>, %get3A_18, %reduce_sum3A_19 [2] : vector<2x8192x16xf32> to vector<2x8192xf32>
    %reduce_sum3A_21 = arith.constant dense<0.000000e+00> : vector<8192xf32>
    %reduce_sum3A_22 = vector.multi_reduction <add>, %reduce_sum3A_20, %reduce_sum3A_21 [0] : vector<2x8192xf32> to vector<8192xf32>
    %mul3A_23 = arith.constant 1.22070313E-4 : f32
    %mul3A_24 = vector.broadcast %mul3A_23 : f32 to vector<8192xf32>
    %mul3A_25 = arith.mulf %reduce_sum3A_22, %mul3A_24 : vector<8192xf32>
    %add3A = arith.constant 1.000000e-10 : f32
    %add3A_26 = vector.broadcast %add3A : f32 to vector<8192xf32>
    %add3A_27 = arith.addf %mul3A_25, %add3A_26 : vector<8192xf32>
    %log3A = math.log %add3A_27 : vector<8192xf32>
    %mul3A_28 = arith.mulf %mul3A_25, %log3A : vector<8192xf32>
    %reduce_sum3A_29 = vector.shape_cast %mul3A_28 : vector<8192xf32> to vector<1x8192xf32>
    %reduce_sum3A_30 = arith.constant dense<0.000000e+00> : vector<1xf32>
    %reduce_sum3A_31 = vector.multi_reduction <add>, %reduce_sum3A_29, %reduce_sum3A_30 [1] : vector<1x8192xf32> to vector<1xf32>
    %reduce_sum3A_32 = vector.shape_cast %reduce_sum3A_31 : vector<1xf32> to vector<1x1xf32>
    %reduce_sum3A_33 = vector.extract %reduce_sum3A_32[0, 0] : f32 from vector<1x1xf32>
    %neg3A = arith.constant 0.000000e+00 : f32
    %neg3A_34 = arith.subf %neg3A, %reduce_sum3A_33 : f32
    %exp3A = math.exp %neg3A_34 : f32
    %reshape3A_35 = vector.broadcast %exp3A : f32 to vector<1x1xf32>
    %swap3A_36 = arith.constant 0 : index
    %swap3A_37 = arith.constant 0 : index
    %swap3A_38 = vector.load %arg4[%swap3A_36, %swap3A_37] : memref<1x1xf32, #tpu.memory_space<vmem>>, vector<1x1xf32>
    tpu.vector_store %arg4[%swap3A_36, %swap3A_37], %reshape3A_35 {strides = array<i32>} : memref<1x1xf32, #tpu.memory_space<vmem>>, vector<1x1xf32>,
    return
  }
}

</mosaic_0001>

<sc_bundles>
// kernel: kernel.4.cloned.1.call-start
scs
__scs_entry_jumppad:
0x0: {  	(pc) =	sbr.rel $0x88, $3  }
0x1: {  	(tag) =	ssettag $0x0;
	lr =	simm.s32 $0x1  }
0x2: {  	[smem:$0x3F9F] =	sst lr;
	_ =	strace $0xD0000000  }
0x3: {  	_ = 	snop  }
0x4: {  	_ = 	snop  }
0x5: {  	_ = 	snop  }
0x6: {  	_ = 	snop  }
0x7: {  	_ = 	snop  }
__scs_overlays_trampoline_lowered:
0x8: {  	[smem:$0x3FAE] =	sst s0  }
0x9: {  	[smem:$0x3FAF] =	sst s1  }
0xa: {  	[smem:$0x3FB0] =	sst s2  }
0xb: {  	[smem:$0x3FB1] =	sst s3  }
0xc: {  	[smem:$0x3FB2] =	sst s4  }
0xd: {  	[smem:$0x3FB3] =	sst s5  }
0xe: {  	[smem:$0x3FB4] =	sst s6  }
0xf: {  	[smem:$0x3FB5] =	sst s7  }
0x10: {  	[smem:$0x3FB6] =	sst s8  }
0x11: {  	[smem:$0x3FB7] =	sst s9;
	s0 =	simm.s32 @!p0 $0x0  }
0x12: {  	s1 =	sld [smem:$0x3F9D];
	s0 =	simm.s32 @p0 $0x1  }
0x13: {  	[smem:$0x3FB8] =	sst s0;
	s0 =	simm.s32 @!p1 $0x0  }
0x14: {  	s2 =	sld [smem:$0x3F9C];
	s0 =	simm.s32 @p1 $0x1  }
0x15: {  	[smem:$0x3FB9] =	sst s0;
	s0 =	simm.s32 @!p2 $0x0  }
0x16: {  	s3 =	sld [smem:$0x3FDB];
	s0 =	simm.s32 @p2 $0x1  }
0x17: {  	s4 =	simm.s32 $0x1BF5;
	[smem:$0x3FBB] =	sst s0  }
0x18: {  	s0 =	sld [smem:$0x3F9E];
	_ =	swait.ge [sflag:s4], $0x0  }
0x19: {  	s7 =	sld [smem:$0x3F9F]  }
0x1a: {  	s8 =	sadd.s32 $0xFFFFE003, lr  }
0x1b: {  	s9 =	sadd.s32 $0xFFFFFEF7, lr;
	s5 =	simm.s32 $0xFFFFFFFF;
	p2 =	slt.u32 s8, $0xFFFFF086  }
0x1c: {  	p1 =	slt.u32 s9, $0xF7A;
	s5 =	simm.s32 @!p2 $0x0  }
0x1d: {  	s5 =	simm.s32 @p1 $0x1;
	p0 =	seq.s32 s7, s2  }
0x1e: {  	s7 =	smul.u32 @!p0 $0xF7A, s2;
	p2 =	seq.s32 @!p0 s5, $0x0  }
0x1f: {  	s9 =	smul.u32 $0xF7A, s1;
	s8 =	simm.s32 @!p0 $0x1BF5;
	p2 =	por !p2, p0  }
0x20: {  	[sflag:s8] =	ssyncset.s32 @!p0 $0xFFFFF086;
	s6 =	sadd.s32 @!p0 s3, s7;
	s7 =	simm.s32 @!p0 $0x108  }
0x21: {  	s3 =	sadd.s32 s3, s9;
	s6 =	sadd.s32 @!p0 $0x88, s6;
	s7 =	simm.s32 @p2 $0x1082  }
0x22: {  	[simem:s7], [sflag:s8] =	dma.local @!p0 [hbm:s6], $0xF7A  }
0x23: {  	s9 =	sor.u32 $0xD0000000, s2;
	s6 =	simm.s32 $0x108;
	_ =	swait.ge @!p0 [sflag:s8], $0x0  }
0x24: {  	s3 =	sadd.s32 $0x88, s3;
	s6 =	simm.s32 @!p1 $0x1082;
	[sflag:s4] =	ssyncset.s32 $0xFFFFF086  }
0x25: {  	[simem:s6], [sflag:s4] =	dma.local [hbm:s3], $0xF7A  }
0x26: {  	[smem:$0x3F9F] =	sst s1;
	(tag) =	ssettag s2;
	_ =	strace s9  }
0x27: {  	s1 =	sld [smem:$0x3FAF]  }
0x28: {  	s2 =	sld [smem:$0x3FB0]  }
0x29: {  	s4 =	sld [smem:$0x3FB2]  }
0x2a: {  	p0 =	seq.s32 s5, $0x0;
	s5 =	sld [smem:$0x3FB3]  }
0x2b: {  	s6 =	sld [smem:$0x3FB4]  }
0x2c: {  	s7 =	sld [smem:$0x3FB5]  }
0x2d: {  	s3 =	simm.s32 $0x108;
	s8 =	sld [smem:$0x3FB6]  }
0x2e: {  	s3 =	simm.s32 @!p0 $0x1082;
	s9 =	sld [smem:$0x3FB7]  }
0x2f: {  	lr =	sadd.s32 s0, s3;
	s0 =	sld [smem:$0x3FAE]  }
0x30: {  	s3 =	sld [smem:$0x3FB1]  }
0x31: {  	[smem:$0x3FBA] =	sst s10  }
0x32: {  	s10 =	sld [smem:$0x3FB8];
	_ =	sdelay $0x3  }
0x33: {  	p0 =	seq.s32 s10, $0x1;
	s10 =	sld [smem:$0x3FBA];
	_ =	sdelay $0x3  }
0x34: {  	[smem:$0x3FBA] =	sst s10  }
0x35: {  	s10 =	sld [smem:$0x3FB9];
	_ =	sdelay $0x3  }
0x36: {  	p1 =	seq.s32 s10, $0x1;
	s10 =	sld [smem:$0x3FBA];
	_ =	sdelay $0x3  }
0x37: {  	[smem:$0x3FBA] =	sst s10  }
0x38: {  	s10 =	sld [smem:$0x3FBB]  }
0x39: {  	_ = 	snop;
	(pc) =	sbr.ind lr, $3  }
0x3a: {  	_ = 	snop  }
0x3b: {  	_ = 	snop  }
0x3c: {  	p2 =	seq.s32 s10, $0x1;
	s10 =	sld [smem:$0x3FBA]  }
0x3d: {  	_ =	shalt  }
0x3e: {  	_ =	shalt  }
0x3f: {  	_ =	shalt  }
0x40: {  	_ =	shalt  }
0x41: {  	_ =	shalt  }
0x42: {  	_ =	shalt  }
0x43: {  	_ =	shalt  }
0x44: {  	_ =	shalt  }
0x45: {  	_ =	shalt  }
0x46: {  	_ =	shalt  }
0x47: {  	_ =	shalt  }
0x48: {  	_ =	shalt  }
0x49: {  	_ =	shalt  }
0x4a: {  	_ =	shalt  }
0x4b: {  	_ =	shalt  }
0x4c: {  	_ =	shalt  }
0x4d: {  	_ =	shalt  }
0x4e: {  	_ =	shalt  }
0x4f: {  	_ =	shalt  }
0x50: {  	_ =	shalt  }
0x51: {  	_ =	shalt  }
0x52: {  	_ =	shalt  }
0x53: {  	_ =	shalt  }
0x54: {  	_ =	shalt  }
0x55: {  	_ =	shalt  }
0x56: {  	_ =	shalt  }
0x57: {  	_ =	shalt  }
0x58: {  	_ =	shalt  }
0x59: {  	_ =	shalt  }
0x5a: {  	_ =	shalt  }
0x5b: {  	_ =	shalt  }
0x5c: {  	_ =	shalt  }
0x5d: {  	_ =	shalt  }
0x5e: {  	_ =	shalt  }
0x5f: {  	_ =	shalt  }
0x60: {  	_ =	shalt  }
0x61: {  	_ =	shalt  }
0x62: {  	_ =	shalt  }
0x63: {  	_ =	shalt  }
0x64: {  	_ =	shalt  }
0x65: {  	_ =	shalt  }
0x66: {  	_ =	shalt  }
0x67: {  	_ =	shalt  }
0x68: {  	_ =	shalt  }
0x69: {  	_ =	shalt  }
0x6a: {  	_ =	shalt  }
0x6b: {  	_ =	shalt  }
0x6c: {  	_ =	shalt  }
0x6d: {  	_ =	shalt  }
0x6e: {  	_ =	shalt  }
0x6f: {  	_ =	shalt  }
0x70: {  	_ =	shalt  }
0x71: {  	_ =	shalt  }
0x72: {  	_ =	shalt  }
0x73: {  	_ =	shalt  }
0x74: {  	_ =	shalt  }
0x75: {  	_ =	shalt  }
0x76: {  	_ =	shalt  }
0x77: {  	_ =	shalt  }
0x78: {  	_ =	shalt  }
0x79: {  	_ =	shalt  }
0x7a: {  	_ =	shalt  }
0x7b: {  	_ =	shalt  }
0x7c: {  	_ =	shalt  }
0x7d: {  	_ =	shalt  }
0x7e: {  	_ =	shalt  }
0x7f: {  	_ =	shalt  }
0x80: {  	_ =	shalt  }
0x81: {  	_ =	shalt  }
0x82: {  	_ =	shalt  }
0x83: {  	_ =	shalt  }
0x84: {  	_ =	shalt  }
0x85: {  	_ =	shalt  }
0x86: {  	_ =	shalt  }
0x87: {  	_ =	shalt  }
.Lfunc_end0:
.L_simem_size_0:
called_computation_lowered:
.L_overlay_start_0:
0x88: {  	s2 =	sld [smem:$0x3FD9]  }
0x89: {  	s3 =	sld [smem:$0x3FFE];
	_ =	sdelay $0x1  }
0x8a: {  	s1 =	srdreg.scid  }
0x8b: {  	s0 =	sand.u32 $0x1, s1  }
0x8c: {  	s14 =	sshll.u32 s0, $0xA;
	s2 =	sadd.s32 s3, s2  }
0x8d: {  	s2 =	sadd.s32 s2, s14  }
0x8e: {  	[smem:$0x3FC6] =	sst s2  }
0x8f: {  	_ = 	snop  }
0x90: {  	s2 =	sld [smem:$0x3FD0];
	_ =	sdelay $0x2  }
0x91: {  	s15 =	simm.s32 $0xA;
	s4 =	simm.s32 $0x10  }
0x92: {  	[smem:s4], [sflag:s15] =	dma.local [hbm:s2], $0x1  }
0x93: {  	_ =	swait.eq [sflag:s15], $0x1  }
0x94: {  	[sflag:s15] =	ssyncset.done $0x0  }
0x95: {  	[sflag:s15] =	ssyncadd.s32 $0xFFFFFFFF  }
0x96: {  	s16 =	sld [smem:$0x10];
	(tm) =	ssettm $0x1  }
0x97: {  	s17 =	sld [smem:$0x3FFB];
	_ =	sdelay $0x3  }
0x98: {  	_ =	strace s17  }
0x99: {  	s3 =	sld [smem:$0x3FFC];
	_ =	sdelay $0x3  }
0x9a: {  	_ =	strace s3  }
0x9b: {  	s3 =	sld [smem:$0x3FFD];
	_ =	sdelay $0x3  }
0x9c: {  	_ =	strace s3  }
0x9d: {  	_ =	strace $0x8FFFFFFF  }
0x9e: {  	s18 =	sld [smem:$0x3FDB];
	_ =	sdelay $0x1  }
0x9f: {  	s19 =	simm.s32 $_scs_section_size  }
0xa0: {  	s5 =	simm.s32 $_size__tile_overlayer_lowered;
	s6 =	simm.s32 $_tile_overlayer_lowered  }
0xa1: {  	s22 =	simm.s32 $0x1BFF;
	s21 =	sshll.u32 s6, $0x1;
	s3 =	sadd.s32 s19, s18  }
0xa2: {  	s7 =	simm.s32 $0x0;
	s20 =	sshll.u32 s5, $0x1;
	s5 =	sadd.s32 s21, s3  }
0xa3: {  	[timem:s7], [sflag:s22] =	dma.local [hbm:s5], s20  }
0xa4: {  	_ =	swait.ge [sflag:s22], s20  }
0xa5: {  	s4 =	ssub.s32 $0x0, s20;
	[sflag:s22] =	ssyncset.done $0x0  }
0xa6: {  	[sflag:s22] =	ssyncadd.s32 s4;
	_ =	sdelay $0x1  }
0xa7: {  	s23 =	simm.s32 $0x1B8B  }
0xa8: {  	_ =	swait.ge [sflag:s23], $0x1  }
0xa9: {  	[sflag:s23] =	ssyncset.done $0x0  }
0xaa: {  	s25 =	simm.s32 $0x1B8E;
	s24 =	sld [smem:$0x3FFE];
	[sflag:s23] =	ssyncadd.s32 $0xFFFFFFFF  }
0xab: {  	s26 =	simm.s32 $execute0_lowered;
	[smem:$0x3FD2] =	sst s25  }
0xac: {  	s5 =	sshll.u32 s26, $0x1;
	_ =	strace $0x80000046;
	[dreg:$0x1] =	wrdreg $0xFFFFFFFF  }
0xad: {  	s28 =	simm.s32 $_size_execute0_lowered;
	s3 =	sadd.s32 s3, s5;
	[dreg:$0x0] =	wrdreg $0x0  }
0xae: {  	s5 =	sshll.u32 s28, $0x1;
	[dreg:$0x2] =	wrdreg s3  }
0xaf: {  	[dreg:$0x3] =	wrdreg s5  }
0xb0: {  	[dreg:$0x4] =	wrdreg $0xC0  }
0xb1: {  	_ =	task [dreg:s7], $0x5FFFF  }
0xb2: {  	[dreg:$0x1] =	wrdreg $0xFFFFFFFF  }
0xb3: {  	[dreg:$0x0] =	wrdreg $0x60  }
0xb4: {  	[dreg:$0x2] =	wrdreg s24  }
0xb5: {  	[dreg:$0x3] =	wrdreg s16  }
0xb6: {  	[dreg:$0x4] =	wrdreg $0x69000  }
0xb7: {  	[dreg:$0x5] =	wrdreg $0x9  }
0xb8: {  	_ =	task.clear_ibuf [dreg:s7], $0x6FFFF;
	_ =	strace $0x90000046  }
0xb9: {  	s29 =	simm.s32 $0x9;
	_ =	strace $0x80000048  }
0xba: {  	_ =	swait.ge [sflag:s29], $0x1  }
0xbb: {  	[sflag:s29] =	ssyncadd.s32 $0xFFFFFFFF  }
0xbc: {  	_ =	strace $0x90000048  }
0xbd: {  	_ =	sfence  }
0xbe: {  	s30 =	sld [smem:$0x0];
	_ =	sdelay $0x2  }
0xbf: {  	s31 =	sshll.u32 s1, $0xD;
	s1 =	sshrl.u32 s1, $0x2  }
0xc0: {  	s3 =	sand.u32 $0x4000, s31;
	s1 =	sadd.s32 s1, s30  }
0xc1: {  	s0 =	sor.u32 s3, s0;
	s1 =	sshll.u32 s1, $0x11  }
0xc2: {  	s0 =	sor.u32 s1, s0  }
0xc3: {  	s0 =	sadd.s32 $0x8F2B, s0  }
0xc4: {  	[sflag:s0] =	ssyncadd.remote.s32 $0x1  }
0xc5: {  	_ =	sfence.sel $0xFFFF  }
0xc6: {  	[dreg:$0x0] =	wrdreg $0xFFFFFFFF;
	(pc) =	sbr.abs _section_cstart, $3  }
0xc7: {  	[dreg:$0x1] =	wrdreg $0xFFFFFFFF  }
0xc8: {  	_ =	task.clear_ibuf [dreg:s7], $0x2FFFF;
	_ =	strace $0x9FFFFFFF  }
0xc9: {  	(tm) =	ssettm $0x7FFFFFFF  }
tec
execute0_lowered:
.L_overlay_start_1:
0x0: {  	(tag) =	ssettag $0x1  }
0x1: {  	s4 =	rddreg [dreg:$0x0]  }
0x2: {  	s1 =	rddreg [dreg:$0x1]  }
0x3: {  	s2 =	rddreg [dreg:$0x2]  }
0x4: {  	s0 =	rddreg [dreg:$0x3];
	s3 =	simm.s32 $0x0;
	s5 =	srdreg.scid  }
0x5: {  	s14 =	stileid.u32;
	s10 =	simm.s32 $0x80;
	s11 =	simm.s32 $0x100  }
0x6: {  	s12 =	simm.s32 $0x1;
	s13 =	simm.s32 $0x2100;
	s15 =	simm.s32 $0x4100  }
0x7: {  	s17 =	simm.s32 $0x0;
	[smem:$0x7FF] =	sst s3;
	s5 =	sand.u32 $0x1, s5  }
0x8: {  	s6 =	sshll.u32 s14, $0x1;
	s31 =	sshll.u32 s14, $0xD;
	p0 =	sne.s32 s14, $0x0  }
0x9: {  	s14 =	simm.s32 $0x4900;
	_ =	strace $0x80000047;
	s6 =	sor.u32 s5, s6  }
0xa: {  	s8 =	sshll.u32 s5, $0xE;
	s5 =	ssub.s32 $0x2, s5;
	s16 =	sshrl.u32 @!p0 s2, $0x3  }
0xb: {  	s7 =	sshll.u32 s6, $0xB;
	s8 =	sadd.s32 s8, s4;
	s9 =	sshrl.u32 s5, $0x1  }
0xc: {  	s30 =	sshll.u32 s6, $0x5;
	s6 =	sadd.s32 s31, s2;
	s7 =	sadd.s32 s7, s4  }
0xd: {  	v0 =	vimm.f32 $0.0e+00;
	vm0 =	vcmask $0x300;
	s9 =	ssub.s32 s5, s9;
	s4 =	sadd.s32 s4, s30;
	s5 =	sadd.s32 $0x400, s7  }
0xe: {  	v1 =	vsel vm0, $0x3F800000, v0;
	s7 =	sadd.s32 $0x10400, s8;
	s8 =	smax.u32 s9, $0x1;
	s9 =	simm.s32 $0x2  }
.LBB2_1:
0xf: {  	[tilespmem:s3], [sflag:$0x2] =	stream.linear.gather [hbm4b:s4+s3], $0x100, $0x38;
	[tilespmem:$0x8900] =	vst v63  }
0x10: {  	_ =	swait.ge [sflag:s9], $0x100  }
0x11: {  	[sflag:s9] =	ssyncset.done $0x0  }
0x12: {  	[sflag:s9] =	ssyncadd.s32 $0xFFFFFF00  }
0x13: {  	[tilespmem:s11], [sflag:$0x1] =	stream.indirect.gather [hbm4b:s1+s10], $0x40, s3, s10, $0xb8;
	[tilespmem:$0x8900] =	vst v63  }
0x14: {  	_ =	swait.ge [sflag:s12], $0x2000  }
0x15: {  	[sflag:s12] =	ssyncset.done $0x0  }
0x16: {  	[sflag:s12] =	ssyncadd.s32 $0xFFFFE000  }
0x17: {  	[tilespmem:s13], [sflag:$0x1] =	stream.indirect.gather [hbm4b:s1+s10], $0x40, s10, s10, $0xb8;
	[tilespmem:$0x8900] =	vst v63  }
0x18: {  	_ =	swait.ge [sflag:s12], $0x2000  }
0x19: {  	[sflag:s12] =	ssyncset.done $0x0  }
0x1a: {  	[sflag:s12] =	ssyncadd.s32 $0xFFFFE000  }
0x1b: {  	[hbm4b:s5+s3] =	stream.linear.scatter [tilespmem:s11], [sflag:$0x2], $0x4000, $0x38;
	[tilespmem:$0x8900] =	vst v63  }
0x1c: {  	_ =	swait.ge [sflag:s9], $0x4000  }
0x1d: {  	[sflag:s9] =	ssyncset.done $0x0  }
0x1e: {  	s18 =	simm.s32 $0x0;
	[sflag:s9] =	ssyncadd.s32 $0xFFFFC000  }
.LBB2_2:
0x1f: {  	p1 =	sne.s32 s18, $0x1FC0  }
.Ltmp0:
0x20: {  	_ = 	snop;
	(pc) =	sbr.rel @p1 .LBB2_2-.Ltmp0, $3  }
0x21: {  	_ =	sdelay $0x1  }
0x22: {  	s19 =	sshra.s32 s18, $0x2  }
0x23: {  	s18 =	sadd.s32 $0x40, s18;
	[tilespmem:s19+$0x4100] =	vst v1  }
0x24: {  	s18 =	simm.s32 $0x40;
	s19 =	simm.s32 $0x0  }
.LBB2_4:
0x25: {  	p1 =	sne.s32 s18, $0x7FC0;
	[tilespmem:s19+$0x4900] =	vst v0;
	s19 =	smov.u32 s18;
	s18 =	sadd.s32 $0x40, s18  }
.Ltmp1:
0x26: {  	(pc) =	sbr.rel @p1 .LBB2_4-.Ltmp1, $2  }
0x27: {  	_ =	sdelay $0x2  }
0x28: {  	s19 =	sshra.s32 s19, $0x2  }
0x29: {  	[tilespmem:s19+$0x4900] =	vst v0  }
0x2a: {  	[spmem:s6] =	stream.linear.scatter [tilespmem:s14], [sflag:$0x2], $0x2000, $0x38;
	[tilespmem:$0x8900] =	vst v63  }
0x2b: {  	_ =	swait.ge [sflag:s9], $0x2000  }
0x2c: {  	[sflag:s9] =	ssyncset.done $0x0  }
0x2d: {  	[sflag:s9] =	ssyncadd.s32 $0xFFFFE000  }
0x2e: {  	[bflag:$0x0] =	sbarrier.arrive $0xFFFF  }
0x2f: {  	[spmem:s2] =	stream.indirect.scatter.add.f32 [tilespmem:s15], [sflag:$0x2], $0x10, s3, s10, $0xb8;
	[tilespmem:$0x8900] =	vst v63  }
0x30: {  	_ =	swait.ge [sflag:s9], $0x800  }
0x31: {  	[sflag:s9] =	ssyncset.done $0x0  }
0x32: {  	[sflag:s9] =	ssyncadd.s32 $0xFFFFF800  }
0x33: {  	[spmem:s2] =	stream.indirect.scatter.add.f32 [tilespmem:s15], [sflag:$0x2], $0x10, s10, s10, $0xb8;
	[tilespmem:$0x8900] =	vst v63  }
0x34: {  	_ =	swait.ge [sflag:s9], $0x800  }
0x35: {  	[sflag:s9] =	ssyncset.done $0x0  }
0x36: {  	s17 =	sadd.s32 $0x1, s17;
	[sflag:s9] =	ssyncadd.s32 $0xFFFFF800  }
0x37: {  	s18 =	simm.s32 @!p0 $0x1C02;
	p1 =	sne.s32 s17, s8;
	[bflag:$0x0] =	sbarrier.arrive $0xFFFF  }
0x38: {  	[hbm:s7], [sflag:s18] =	dma.local @!p0 [spmem:s16], $0x4000  }
.Ltmp2:
0x39: {  	_ = 	snop;
	(pc) =	sbr.rel @p1 .LBB2_1-.Ltmp2, $4  }
0x3a: {  	s18 =	simm.s32 @!p0 $0x2  }
0x3b: {  	_ =	swait.ge @!p0 [sflag:s18], $0x4000  }
0x3c: {  	[sflag:s18] =	ssyncset.done @!p0 $0x0  }
0x3d: {  	[sflag:s18] =	ssyncadd.s32 @!p0 $0xFFFFC000  }
0x3e: {  	_ =	sfence.sel $0x180000  }
0x3f: {  	[bflag:$0x0] =	sbarrier.arrive $0xFFFF  }
0x40: {  	_ =	strace $0x90000047  }
0x41: {  	s0 =	sadd.s32 @!p0 $0x100000, s0;
	[bflag:$0x2] =	sbarrier.arrive $0xFFFF  }
0x42: {  	[sflag:s0] =	ssyncadd.tile.s32 @!p0 $0x1;
	_ =	shalt  }
.Lfunc_end2:
_tile_overlayer_lowered:
.L_overlay_start_2:
0x43: {  	(tag) =	ssettag $0x2  }
0x44: {  	s0 =	rddreg [dreg:$0x0];
	s2 =	stileid.u32  }
0x45: {  	s1 =	rddreg [dreg:$0x1];
	p0 =	sne.s32 s2, $0x0  }
0x46: {  	s3 =	rddreg [dreg:$0x2];
	[bflag:$0x3] =	sbarrier.arrive $0xFFFF;
	s2 =	simm.s32 @!p0 $0x1C02  }
0x47: {  	[timem:s3], [sflag:s2] =	dma.local @!p0 [hbm:s0], s1  }
0x48: {  	s0 =	simm.s32 @!p0 $0x2  }
0x49: {  	_ =	swait.ge @!p0 [sflag:s0], s1  }
0x4a: {  	s1 =	ssub.s32 @!p0 $0x0, s1;
	[sflag:s0] =	ssyncset.done @!p0 $0x0  }
0x4b: {  	[sflag:s0] =	ssyncadd.s32 @!p0 s1  }
0x4c: {  	[bflag:$0x3] =	sbarrier.arrive $0xFFFF  }
0x4d: {  	_ =	shalt  }

</sc_bundles>
